<compile_context>
chip_gen: v7x
topology: tpu7x:2x2x1
jax: 0.10.2.dev20260603
libtpu: 0.0.44.dev20260713+nightly
codegen_flags: <defaults>
</compile_context>

<pallas_src>
import functools

import jax
import jax.numpy as jnp
from jax import lax
from jax.experimental import pallas as pl
from jax.experimental.pallas import tpu as pltpu
from jax.experimental.pallas import tpu_sc as plsc

V = 10000
NC, NS = 2, 16
NW = NC * NS


def _make_sc_kernel(B, S, L):
    PER_W = (B * S) // NW
    WPB = S // PER_W
    HIST = PER_W * V
    mesh = plsc.VectorSubcoreMesh(
        core_axis_name="c", subcore_axis_name="s",
        num_cores=NC, num_subcores=NS)

    @functools.partial(
        pl.kernel,
        out_type=jax.ShapeDtypeStruct((B * S, V), jnp.float32),
        mesh=mesh,
        compiler_params=pltpu.CompilerParams(
            needs_layout_passes=False, use_tc_tiling_on_sc=True),
        scratch_types=[
            pltpu.VMEM((L,), jnp.int32),
            pltpu.VMEM((L,), jnp.float32),
            pltpu.VMEM((2, S), jnp.int32),
            pltpu.VMEM((PER_W, V), jnp.float32),
        ],
    )
    def sc_kernel(tok_hbm, spans_hbm, tw_hbm, out_hbm,
                  tok_v, tw_v, spans_v, hist_v):
        c = lax.axis_index("c")
        s = lax.axis_index("s")
        w = s * NC + c
        b = w // WPB

        s0 = (w % WPB) * PER_W
        pltpu.sync_copy(tok_hbm.at[pl.ds(b * L, L)], tok_v)
        pltpu.sync_copy(tw_hbm.at[pl.ds(b * L, L)], tw_v)
        pltpu.sync_copy(spans_hbm.at[pl.ds(2 * b, 2)], spans_v)

        zeros = jnp.zeros((16,), jnp.float32)
        iota = lax.iota(jnp.int32, 16)
        lane_lt8 = iota < PER_W
        lane8 = jnp.where(lane_lt8, s0 + iota, 0)
        zero16 = jnp.zeros((16,), jnp.int32)
        iv = plsc.load_gather(spans_v, [zero16, lane8], mask=lane_lt8)
        jv = plsc.load_gather(spans_v, [zero16 + 1, lane8], mask=lane_lt8)

        @plsc.parallel_loop(0, V, 16, unroll=2)
        def zbody(off):
            o = pl.multiple_of(off, 16)
            for r in range(PER_W):
                hist_v[r, pl.ds(o, 16)] = zeros

        def span_body(k, carry):
            row = jnp.full((16,), k, jnp.int32)
            i = jnp.sum(jnp.where(iota == k, iv, 0))
            j = jnp.sum(jnp.where(iota == k, jv, 0))

            t0 = i // 16
            t1 = (j + 15) // 16

            @plsc.parallel_loop(t0 * 16, t1 * 16, 16, unroll=4)
            def sbody(off16):
                off = pl.multiple_of(off16, 16)
                pos = off + iota
                m = (pos >= i) & (pos < j)
                tok = tok_v[pl.ds(off, 16)]
                wv = tw_v[pl.ds(off, 16)]
                plsc.addupdate_scatter(hist_v, [row, tok], wv, mask=m)

            return carry

        lax.fori_loop(0, PER_W, span_body, None)
        pltpu.sync_copy(hist_v, out_hbm.at[pl.ds(w * PER_W, PER_W)])

    return sc_kernel


def kernel(tokens, lengths, span_idxs, token_weights):
    B = lengths.shape[0]
    L = tokens.shape[0] // B
    S = span_idxs.shape[1]
    spans_soa = span_idxs.transpose(0, 2, 1).reshape(2 * B, S)
    out = _make_sc_kernel(B, S, L)(tokens, spans_soa, token_weights)
    return out.reshape(B, S, V)

# --- scband reference (transcript-rebuilt; emitter-appended) ---
"""Pipeline reference for scband-seg-bow-47004122087509 (READ-ONLY COPY).

The authoritative reference and input builder live on the scoring server;
editing this copy changes nothing except your own understanding.
"""

import jax, jax.numpy as jnp
import numpy as np

VOCAB_SIZE = 10000

def setup_inputs(seed: int = 0):
    key = jax.random.key(seed)
    k1, k2 = jax.random.split(key, 2)
    B, S, L = 8, 32, 1024
    tokens = jax.random.randint(k1, (B * L,), 0, VOCAB_SIZE, dtype=jnp.int32)
    lengths = jnp.full((B,), L, dtype=jnp.int32)
    span_idxs = jnp.sort(jax.random.randint(k2, (B, S, 2), 0, L, dtype=jnp.int32), axis=-1)
    token_weights = jnp.ones((B * L,), dtype=jnp.float32)
    return {"tokens": tokens, "lengths": lengths, "span_idxs": span_idxs, "token_weights": token_weights}

def reference(tokens, lengths, span_idxs, token_weights):
    # SegBOW forward, mode='counts': for each sample k and segment s with span (i, j),
    # accumulate counts of token ids in tokens[k][i:j] into bow[k, s, :].
    # Spans with (i, j) == (0, 0) are skipped (empty segment marker).
    B = lengths.shape[0]
    L = tokens.shape[0] // B  # uniform lengths in this setup
    S = span_idxs.shape[1]
    tokens2 = tokens.reshape(B, L)
    tw2 = token_weights.reshape(B, L)
    i = span_idxs[:, :, 0][:, :, None]  # [B, S, 1]
    j = span_idxs[:, :, 1][:, :, None]  # [B, S, 1]
    pos = jnp.arange(L)[None, None, :]  # [1, 1, L]
    valid = jnp.logical_not((i == 0) & (j == 0))
    mask = (pos >= i) & (pos < j) & valid & (pos < lengths[:, None, None])  # [B, S, L]
    vals = mask.astype(jnp.float32) * tw2[:, None, :]
    ids = jnp.broadcast_to(tokens2[:, None, :], (B, S, L))
    kk = jnp.broadcast_to(jnp.arange(B)[:, None, None], (B, S, L))
    ss = jnp.broadcast_to(jnp.arange(S)[None, :, None], (B, S, L))
    bow = jnp.zeros((B, S, VOCAB_SIZE), dtype=jnp.float32).at[kk, ss, ids].add(vals)
    return bow

if __name__ == "__main__":
    import jax
    _d = setup_inputs()
    print(jax.jit(kernel)(*tuple(_d.values())))

</pallas_src>

<mosaic_0001>
#map = affine_map<(d0, d1) -> (0)>
#map1 = affine_map<(d0, d1) -> (0, 0)>
module attributes {stable_mosaic.version = 14 : i64} {
  func.func @sc_kernel(%arg0: i32, %arg1: i32, %arg2: memref<8192xi32, #tpu.memory_space<hbm>>, %arg3: memref<16x32xi32, #tpu.memory_space<hbm>>, %arg4: memref<8192xf32, #tpu.memory_space<hbm>>, %arg5: memref<256x10000xf32, #tpu.memory_space<hbm>>, %arg6: memref<1024xi32, #tpu.memory_space<vmem>>, %arg7: memref<1024xf32, #tpu.memory_space<vmem>>, %arg8: memref<2x32xi32, #tpu.memory_space<vmem>>, %arg9: memref<8x10000xf32, #tpu.memory_space<vmem>>) attributes {dimension_semantics = [#tpu.dimension_semantics<core_parallel>, #tpu.dimension_semantics<subcore_parallel>], iteration_bounds = array<i64: 2, 16>, scalar_prefetch = 0 : i64, scratch_operands = 4 : i64, tpu.core_type = #tpu.core_type<sc_vector_subcore>, window_params = [{transform_indices = #map}, {transform_indices = #map1}, {transform_indices = #map}, {transform_indices = #map1}]} {
    %mul3A = arith.constant 2 : i32
    %mul3A_0 = arith.muli %arg1, %mul3A : i32
    %add3A = arith.addi %mul3A_0, %arg0 : i32
    %jit3A = arith.constant 4 : i32
    %div3A = arith.divsi %add3A, %jit3A : i32
    %sign3A = arith.constant 0 : i32
    %sign3A_1 = arith.cmpi sgt, %add3A, %sign3A : i32
    %sign3A_2 = arith.extui %sign3A_1 : i1 to i32
    %sign3A_3 = arith.constant 0 : i32
    %sign3A_4 = arith.cmpi slt, %add3A, %sign3A_3 : i32
    %sign3A_5 = arith.extui %sign3A_4 : i1 to i32
    %sign3A_6 = arith.subi %sign3A_2, %sign3A_5 : i32
    %sign3A_7 = arith.constant 0 : i32
    %sign3A_8 = arith.cmpi sgt, %jit3A, %sign3A_7 : i32
    %sign3A_9 = arith.extui %sign3A_8 : i1 to i32
    %sign3A_10 = arith.constant 0 : i32
    %sign3A_11 = arith.cmpi slt, %jit3A, %sign3A_10 : i32
    %sign3A_12 = arith.extui %sign3A_11 : i1 to i32
    %sign3A_13 = arith.subi %sign3A_9, %sign3A_12 : i32
    %ne3A = arith.cmpi ne, %sign3A_6, %sign3A_13 : i32
    %rem3A = arith.remsi %add3A, %jit3A : i32
    %ne3A_14 = arith.constant 0 : i32
    %ne3A_15 = arith.cmpi ne, %rem3A, %ne3A_14 : i32
    %and3A = arith.andi %ne3A, %ne3A_15 : i1
    %sub3A = arith.constant 1 : i32
    %sub3A_16 = arith.subi %div3A, %sub3A : i32
    %select_n3A = arith.select %and3A, %sub3A_16, %div3A : i32
    %jit3A_17 = arith.constant 4 : i32
    %eq3A = arith.constant 0 : i32
    %eq3A_18 = arith.cmpi eq, %jit3A_17, %eq3A : i32
    %jit3A_19 = arith.constant 1 : i32
    %select_n3A_20 = arith.select %eq3A_18, %jit3A_19, %jit3A_17 : i32
    %rem3A_21 = arith.remsi %add3A, %select_n3A_20 : i32
    %ne3A_22 = arith.constant 0 : i32
    %ne3A_23 = arith.cmpi ne, %rem3A_21, %ne3A_22 : i32
    %lt3A = arith.constant 0 : i32
    %lt3A_24 = arith.cmpi slt, %rem3A_21, %lt3A : i32
    %lt3A_25 = arith.constant 0 : i32
    %lt3A_26 = arith.cmpi slt, %select_n3A_20, %lt3A_25 : i32
    %ne3A_27 = arith.xori %lt3A_24, %lt3A_26 : i1
    %and3A_28 = arith.andi %ne3A_27, %ne3A_23 : i1
    %add3A_29 = arith.addi %rem3A_21, %select_n3A_20 : i32
    %select_n3A_30 = arith.select %and3A_28, %add3A_29, %rem3A_21 : i32
    %mul3A_31 = arith.constant 8 : i32
    %mul3A_32 = arith.muli %select_n3A_30, %mul3A_31 : i32
    %mul3A_33 = arith.constant 1024 : i32
    %mul3A_34 = arith.muli %select_n3A, %mul3A_33 : i32
    "tpu.region"() ({
      %run_scoped3A = tpu.sem_alloc : memref<!tpu.dma_semaphore, #tpu.memory_space<semaphore_mem>>
      %dma_start3A = tpu.memref_slice %arg2[%mul3A_34] : memref<8192xi32, #tpu.memory_space<hbm>> -> memref<1024xi32, #tpu.memory_space<hbm>>
      %dma_start3A_62 = tpu.memref_slice %arg2[%mul3A_34] : memref<8192xi32, #tpu.memory_space<hbm>> -> memref<1024xi32, #tpu.memory_space<hbm>>
      tpu.enqueue_dma source(%dma_start3A_62 : memref<1024xi32, #tpu.memory_space<hbm>>) target(%arg6 : memref<1024xi32, #tpu.memory_space<vmem>>) target_semaphore(%run_scoped3A : memref<!tpu.dma_semaphore, #tpu.memory_space<semaphore_mem>>)
      %dma_wait3A = tpu.memref_slice %arg2[%mul3A_34] : memref<8192xi32, #tpu.memory_space<hbm>> -> memref<1024xi32, #tpu.memory_space<hbm>>
      %dma_wait3A_63 = tpu.memref_slice %arg2[%mul3A_34] : memref<8192xi32, #tpu.memory_space<hbm>> -> memref<1024xi32, #tpu.memory_space<hbm>>
      tpu.wait_dma2 semaphore(%run_scoped3A : memref<!tpu.dma_semaphore, #tpu.memory_space<semaphore_mem>>) src(%dma_wait3A_63 : memref<1024xi32, #tpu.memory_space<hbm>>) dst(%arg6 : memref<1024xi32, #tpu.memory_space<vmem>>)
      tpu.yield
    }) : () -> ()
    %mul3A_35 = arith.constant 1024 : i32
    %mul3A_36 = arith.muli %select_n3A, %mul3A_35 : i32
    "tpu.region"() ({
      %run_scoped3A = tpu.sem_alloc : memref<!tpu.dma_semaphore, #tpu.memory_space<semaphore_mem>>
      %dma_start3A = tpu.memref_slice %arg4[%mul3A_36] : memref<8192xf32, #tpu.memory_space<hbm>> -> memref<1024xf32, #tpu.memory_space<hbm>>
      %dma_start3A_62 = tpu.memref_slice %arg4[%mul3A_36] : memref<8192xf32, #tpu.memory_space<hbm>> -> memref<1024xf32, #tpu.memory_space<hbm>>
      tpu.enqueue_dma source(%dma_start3A_62 : memref<1024xf32, #tpu.memory_space<hbm>>) target(%arg7 : memref<1024xf32, #tpu.memory_space<vmem>>) target_semaphore(%run_scoped3A : memref<!tpu.dma_semaphore, #tpu.memory_space<semaphore_mem>>)
      %dma_wait3A = tpu.memref_slice %arg4[%mul3A_36] : memref<8192xf32, #tpu.memory_space<hbm>> -> memref<1024xf32, #tpu.memory_space<hbm>>
      %dma_wait3A_63 = tpu.memref_slice %arg4[%mul3A_36] : memref<8192xf32, #tpu.memory_space<hbm>> -> memref<1024xf32, #tpu.memory_space<hbm>>
      tpu.wait_dma2 semaphore(%run_scoped3A : memref<!tpu.dma_semaphore, #tpu.memory_space<semaphore_mem>>) src(%dma_wait3A_63 : memref<1024xf32, #tpu.memory_space<hbm>>) dst(%arg7 : memref<1024xf32, #tpu.memory_space<vmem>>)
      tpu.yield
    }) : () -> ()
    %mul3A_37 = arith.constant 2 : i32
    %mul3A_38 = arith.muli %mul3A_37, %select_n3A : i32
    "tpu.region"() ({
      %run_scoped3A = tpu.sem_alloc : memref<!tpu.dma_semaphore, #tpu.memory_space<semaphore_mem>>
      %dma_start3A = arith.constant 0 : i32
      %dma_start3A_62 = tpu.memref_slice %arg3[%mul3A_38, %dma_start3A] : memref<16x32xi32, #tpu.memory_space<hbm>> -> memref<2x32xi32, #tpu.memory_space<hbm>>
      %dma_start3A_63 = arith.constant 0 : i32
      %dma_start3A_64 = tpu.memref_slice %arg3[%mul3A_38, %dma_start3A_63] : memref<16x32xi32, #tpu.memory_space<hbm>> -> memref<2x32xi32, #tpu.memory_space<hbm>>
      tpu.enqueue_dma source(%dma_start3A_64 : memref<2x32xi32, #tpu.memory_space<hbm>>) target(%arg8 : memref<2x32xi32, #tpu.memory_space<vmem>>) target_semaphore(%run_scoped3A : memref<!tpu.dma_semaphore, #tpu.memory_space<semaphore_mem>>)
      %dma_wait3A = arith.constant 0 : i32
      %dma_wait3A_65 = tpu.memref_slice %arg3[%mul3A_38, %dma_wait3A] : memref<16x32xi32, #tpu.memory_space<hbm>> -> memref<2x32xi32, #tpu.memory_space<hbm>>
      %dma_wait3A_66 = arith.constant 0 : i32
      %dma_wait3A_67 = tpu.memref_slice %arg3[%mul3A_38, %dma_wait3A_66] : memref<16x32xi32, #tpu.memory_space<hbm>> -> memref<2x32xi32, #tpu.memory_space<hbm>>
      tpu.wait_dma2 semaphore(%run_scoped3A : memref<!tpu.dma_semaphore, #tpu.memory_space<semaphore_mem>>) src(%dma_wait3A_67 : memref<2x32xi32, #tpu.memory_space<hbm>>) dst(%arg8 : memref<2x32xi32, #tpu.memory_space<vmem>>)
      tpu.yield
    }) : () -> ()
    %broadcast_in_dim3A = arith.constant 0.000000e+00 : f32
    %broadcast_in_dim3A_39 = vector.broadcast %broadcast_in_dim3A : f32 to vector<16xf32>
    %iota3A = tpu.iota {dimensions = array<i32: 0>} : vector<16xi32>
    %lt3A_40 = arith.constant 8 : i32
    %lt3A_41 = vector.broadcast %lt3A_40 : i32 to vector<16xi32>
    %lt3A_42 = arith.cmpi slt, %iota3A, %lt3A_41 : vector<16xi32>
    %add3A_43 = vector.broadcast %mul3A_32 : i32 to vector<16xi32>
    %add3A_44 = arith.addi %add3A_43, %iota3A : vector<16xi32>
    %jit3A_45 = arith.constant 0 : i32
    %broadcast_in_dim3A_46 = vector.broadcast %jit3A_45 : i32 to vector<16xi32>
    %select_n3A_47 = arith.select %lt3A_42, %add3A_44, %broadcast_in_dim3A_46 : vector<16xi1>, vector<16xi32>
    %broadcast_in_dim3A_48 = arith.constant 0 : i32
    %broadcast_in_dim3A_49 = vector.broadcast %broadcast_in_dim3A_48 : i32 to vector<16xi32>
    %gather3A = tpu.vector_load_idx %arg8[%broadcast_in_dim3A_49, %select_n3A_47] masked %lt3A_42 : memref<2x32xi32, #tpu.memory_space<vmem>>[vector<16xi32>, vector<16xi32>], vector<16xi32>, vector<16xi1>
    %add3A_50 = arith.constant 1 : i32
    %add3A_51 = vector.broadcast %add3A_50 : i32 to vector<16xi32>
    %add3A_52 = arith.addi %broadcast_in_dim3A_49, %add3A_51 : vector<16xi32>
    %gather3A_53 = tpu.vector_load_idx %arg8[%add3A_52, %select_n3A_47] masked %lt3A_42 : memref<2x32xi32, #tpu.memory_space<vmem>>[vector<16xi32>, vector<16xi32>], vector<16xi32>, vector<16xi1>
    %parallel_loop3A = arith.constant 0 : i32
    %parallel_loop3A_54 = arith.constant 10000 : i32
    %parallel_loop3A_55 = arith.constant 16 : i32
    scf.for %parallel_loop3A_62 = %parallel_loop3A to %parallel_loop3A_54 step %parallel_loop3A_55  : i32 {
      %parallel_loop3A_63 = tpu.assume_multiple %parallel_loop3A_62, 16 : i32
      %parallel_loop3A_64 = arith.constant 0 : i32
      %parallel_loop3A_65 = arith.index_cast %parallel_loop3A_64 : i32 to index
      %parallel_loop3A_66 = arith.index_cast %parallel_loop3A_63 : i32 to index
      %parallel_loop3A_67 = tpu.vector_load %arg9[%parallel_loop3A_65, %parallel_loop3A_66] {strides = array<i32>} : memref<8x10000xf32, #tpu.memory_space<vmem>>, vector<16xf32>,
      tpu.vector_store %arg9[%parallel_loop3A_65, %parallel_loop3A_66], %broadcast_in_dim3A_39 {strides = array<i32>} : memref<8x10000xf32, #tpu.memory_space<vmem>>, vector<16xf32>,
      %parallel_loop3A_68 = arith.constant 1 : i32
      %parallel_loop3A_69 = arith.index_cast %parallel_loop3A_68 : i32 to index
      %parallel_loop3A_70 = arith.index_cast %parallel_loop3A_63 : i32 to index
      %parallel_loop3A_71 = tpu.vector_load %arg9[%parallel_loop3A_69, %parallel_loop3A_70] {strides = array<i32>} : memref<8x10000xf32, #tpu.memory_space<vmem>>, vector<16xf32>,
      tpu.vector_store %arg9[%parallel_loop3A_69, %parallel_loop3A_70], %broadcast_in_dim3A_39 {strides = array<i32>} : memref<8x10000xf32, #tpu.memory_space<vmem>>, vector<16xf32>,
      %parallel_loop3A_72 = arith.constant 2 : i32
      %parallel_loop3A_73 = arith.index_cast %parallel_loop3A_72 : i32 to index
      %parallel_loop3A_74 = arith.index_cast %parallel_loop3A_63 : i32 to index
      %parallel_loop3A_75 = tpu.vector_load %arg9[%parallel_loop3A_73, %parallel_loop3A_74] {strides = array<i32>} : memref<8x10000xf32, #tpu.memory_space<vmem>>, vector<16xf32>,
      tpu.vector_store %arg9[%parallel_loop3A_73, %parallel_loop3A_74], %broadcast_in_dim3A_39 {strides = array<i32>} : memref<8x10000xf32, #tpu.memory_space<vmem>>, vector<16xf32>,
      %parallel_loop3A_76 = arith.constant 3 : i32
      %parallel_loop3A_77 = arith.index_cast %parallel_loop3A_76 : i32 to index
      %parallel_loop3A_78 = arith.index_cast %parallel_loop3A_63 : i32 to index
      %parallel_loop3A_79 = tpu.vector_load %arg9[%parallel_loop3A_77, %parallel_loop3A_78] {strides = array<i32>} : memref<8x10000xf32, #tpu.memory_space<vmem>>, vector<16xf32>,
      tpu.vector_store %arg9[%parallel_loop3A_77, %parallel_loop3A_78], %broadcast_in_dim3A_39 {strides = array<i32>} : memref<8x10000xf32, #tpu.memory_space<vmem>>, vector<16xf32>,
      %parallel_loop3A_80 = arith.constant 4 : i32
      %parallel_loop3A_81 = arith.index_cast %parallel_loop3A_80 : i32 to index
      %parallel_loop3A_82 = arith.index_cast %parallel_loop3A_63 : i32 to index
      %parallel_loop3A_83 = tpu.vector_load %arg9[%parallel_loop3A_81, %parallel_loop3A_82] {strides = array<i32>} : memref<8x10000xf32, #tpu.memory_space<vmem>>, vector<16xf32>,
      tpu.vector_store %arg9[%parallel_loop3A_81, %parallel_loop3A_82], %broadcast_in_dim3A_39 {strides = array<i32>} : memref<8x10000xf32, #tpu.memory_space<vmem>>, vector<16xf32>,
      %parallel_loop3A_84 = arith.constant 5 : i32
      %parallel_loop3A_85 = arith.index_cast %parallel_loop3A_84 : i32 to index
      %parallel_loop3A_86 = arith.index_cast %parallel_loop3A_63 : i32 to index
      %parallel_loop3A_87 = tpu.vector_load %arg9[%parallel_loop3A_85, %parallel_loop3A_86] {strides = array<i32>} : memref<8x10000xf32, #tpu.memory_space<vmem>>, vector<16xf32>,
      tpu.vector_store %arg9[%parallel_loop3A_85, %parallel_loop3A_86], %broadcast_in_dim3A_39 {strides = array<i32>} : memref<8x10000xf32, #tpu.memory_space<vmem>>, vector<16xf32>,
      %parallel_loop3A_88 = arith.constant 6 : i32
      %parallel_loop3A_89 = arith.index_cast %parallel_loop3A_88 : i32 to index
      %parallel_loop3A_90 = arith.index_cast %parallel_loop3A_63 : i32 to index
      %parallel_loop3A_91 = tpu.vector_load %arg9[%parallel_loop3A_89, %parallel_loop3A_90] {strides = array<i32>} : memref<8x10000xf32, #tpu.memory_space<vmem>>, vector<16xf32>,
      tpu.vector_store %arg9[%parallel_loop3A_89, %parallel_loop3A_90], %broadcast_in_dim3A_39 {strides = array<i32>} : memref<8x10000xf32, #tpu.memory_space<vmem>>, vector<16xf32>,
      %parallel_loop3A_92 = arith.constant 7 : i32
      %parallel_loop3A_93 = arith.index_cast %parallel_loop3A_92 : i32 to index
      %parallel_loop3A_94 = arith.index_cast %parallel_loop3A_63 : i32 to index
      %parallel_loop3A_95 = tpu.vector_load %arg9[%parallel_loop3A_93, %parallel_loop3A_94] {strides = array<i32>} : memref<8x10000xf32, #tpu.memory_space<vmem>>, vector<16xf32>,
      tpu.vector_store %arg9[%parallel_loop3A_93, %parallel_loop3A_94], %broadcast_in_dim3A_39 {strides = array<i32>} : memref<8x10000xf32, #tpu.memory_space<vmem>>, vector<16xf32>,
    } {sc.loop_unroll_factor = 2 : i64, sc.parallel_access}
    %scan3A = arith.constant 0 : i32
    %scan3A_56 = arith.constant 8 : i32
    %scan3A_57 = arith.addi %scan3A, %scan3A_56 : i32
    %scan3A_58 = arith.constant 1 : i32
    scf.for %scan3A_62 = %scan3A to %scan3A_57 step %scan3A_58  : i32 {
      %broadcast_in_dim3A_63 = vector.broadcast %scan3A_62 : i32 to vector<16xi32>
      %eq3A_64 = vector.broadcast %scan3A_62 : i32 to vector<16xi32>
      %eq3A_65 = arith.cmpi eq, %iota3A, %eq3A_64 : vector<16xi32>
      %jit3A_66 = arith.constant 0 : i32
      %broadcast_in_dim3A_67 = vector.broadcast %jit3A_66 : i32 to vector<16xi32>
      %select_n3A_68 = arith.select %eq3A_65, %gather3A, %broadcast_in_dim3A_67 : vector<16xi1>, vector<16xi32>
      %reduce_sum3A = arith.constant true
      %reduce_sum3A_69 = vector.broadcast %reduce_sum3A : i1 to vector<16xi1>
      %reduce_sum3A_70 = tpu.scan <sum>, %select_n3A_68 masked %reduce_sum3A_69 : vector<16xi32>, vector<16xi1> -> vector<16xi32>
      %reduce_sum3A_71 = vector.extract %reduce_sum3A_70[15] : i32 from vector<16xi32>
      %eq3A_72 = vector.broadcast %scan3A_62 : i32 to vector<16xi32>
      %eq3A_73 = arith.cmpi eq, %iota3A, %eq3A_72 : vector<16xi32>
      %jit3A_74 = arith.constant 0 : i32
      %broadcast_in_dim3A_75 = vector.broadcast %jit3A_74 : i32 to vector<16xi32>
      %select_n3A_76 = arith.select %eq3A_73, %gather3A_53, %broadcast_in_dim3A_75 : vector<16xi1>, vector<16xi32>
      %reduce_sum3A_77 = arith.constant true
      %reduce_sum3A_78 = vector.broadcast %reduce_sum3A_77 : i1 to vector<16xi1>
      %reduce_sum3A_79 = tpu.scan <sum>, %select_n3A_76 masked %reduce_sum3A_78 : vector<16xi32>, vector<16xi1> -> vector<16xi32>
      %reduce_sum3A_80 = vector.extract %reduce_sum3A_79[15] : i32 from vector<16xi32>
      %jit3A_81 = arith.constant 16 : i32
      %div3A_82 = arith.divsi %reduce_sum3A_71, %jit3A_81 : i32
      %sign3A_83 = arith.constant 0 : i32
      %sign3A_84 = arith.cmpi sgt, %reduce_sum3A_71, %sign3A_83 : i32
      %sign3A_85 = arith.extui %sign3A_84 : i1 to i32
      %sign3A_86 = arith.constant 0 : i32
      %sign3A_87 = arith.cmpi slt, %reduce_sum3A_71, %sign3A_86 : i32
      %sign3A_88 = arith.extui %sign3A_87 : i1 to i32
      %sign3A_89 = arith.subi %sign3A_85, %sign3A_88 : i32
      %sign3A_90 = arith.constant 0 : i32
      %sign3A_91 = arith.cmpi sgt, %jit3A_81, %sign3A_90 : i32
      %sign3A_92 = arith.extui %sign3A_91 : i1 to i32
      %sign3A_93 = arith.constant 0 : i32
      %sign3A_94 = arith.cmpi slt, %jit3A_81, %sign3A_93 : i32
      %sign3A_95 = arith.extui %sign3A_94 : i1 to i32
      %sign3A_96 = arith.subi %sign3A_92, %sign3A_95 : i32
      %ne3A_97 = arith.cmpi ne, %sign3A_89, %sign3A_96 : i32
      %rem3A_98 = arith.remsi %reduce_sum3A_71, %jit3A_81 : i32
      %ne3A_99 = arith.constant 0 : i32
      %ne3A_100 = arith.cmpi ne, %rem3A_98, %ne3A_99 : i32
      %and3A_101 = arith.andi %ne3A_97, %ne3A_100 : i1
      %sub3A_102 = arith.constant 1 : i32
      %sub3A_103 = arith.subi %div3A_82, %sub3A_102 : i32
      %select_n3A_104 = arith.select %and3A_101, %sub3A_103, %div3A_82 : i32
      %add3A_105 = arith.constant 15 : i32
      %add3A_106 = arith.addi %reduce_sum3A_80, %add3A_105 : i32
      %jit3A_107 = arith.constant 16 : i32
      %div3A_108 = arith.divsi %add3A_106, %jit3A_107 : i32
      %sign3A_109 = arith.constant 0 : i32
      %sign3A_110 = arith.cmpi sgt, %add3A_106, %sign3A_109 : i32
      %sign3A_111 = arith.extui %sign3A_110 : i1 to i32
      %sign3A_112 = arith.constant 0 : i32
      %sign3A_113 = arith.cmpi slt, %add3A_106, %sign3A_112 : i32
      %sign3A_114 = arith.extui %sign3A_113 : i1 to i32
      %sign3A_115 = arith.subi %sign3A_111, %sign3A_114 : i32
      %sign3A_116 = arith.constant 0 : i32
      %sign3A_117 = arith.cmpi sgt, %jit3A_107, %sign3A_116 : i32
      %sign3A_118 = arith.extui %sign3A_117 : i1 to i32
      %sign3A_119 = arith.constant 0 : i32
      %sign3A_120 = arith.cmpi slt, %jit3A_107, %sign3A_119 : i32
      %sign3A_121 = arith.extui %sign3A_120 : i1 to i32
      %sign3A_122 = arith.subi %sign3A_118, %sign3A_121 : i32
      %ne3A_123 = arith.cmpi ne, %sign3A_115, %sign3A_122 : i32
      %rem3A_124 = arith.remsi %add3A_106, %jit3A_107 : i32
      %ne3A_125 = arith.constant 0 : i32
      %ne3A_126 = arith.cmpi ne, %rem3A_124, %ne3A_125 : i32
      %and3A_127 = arith.andi %ne3A_123, %ne3A_126 : i1
      %sub3A_128 = arith.constant 1 : i32
      %sub3A_129 = arith.subi %div3A_108, %sub3A_128 : i32
      %select_n3A_130 = arith.select %and3A_127, %sub3A_129, %div3A_108 : i32
      %mul3A_131 = arith.constant 16 : i32
      %mul3A_132 = arith.muli %select_n3A_104, %mul3A_131 : i32
      %mul3A_133 = arith.constant 16 : i32
      %mul3A_134 = arith.muli %select_n3A_130, %mul3A_133 : i32
      %parallel_loop3A_135 = arith.constant 16 : i32
      scf.for %parallel_loop3A_136 = %mul3A_132 to %mul3A_134 step %parallel_loop3A_135  : i32 {
        %parallel_loop3A_137 = tpu.assume_multiple %parallel_loop3A_136, 16 : i32
        %parallel_loop3A_138 = vector.broadcast %parallel_loop3A_137 : i32 to vector<16xi32>
        %parallel_loop3A_139 = arith.addi %parallel_loop3A_138, %iota3A : vector<16xi32>
        %parallel_loop3A_140 = vector.broadcast %reduce_sum3A_71 : i32 to vector<16xi32>
        %parallel_loop3A_141 = arith.cmpi sge, %parallel_loop3A_139, %parallel_loop3A_140 : vector<16xi32>
        %parallel_loop3A_142 = vector.broadcast %reduce_sum3A_80 : i32 to vector<16xi32>
        %parallel_loop3A_143 = arith.cmpi slt, %parallel_loop3A_139, %parallel_loop3A_142 : vector<16xi32>
        %parallel_loop3A_144 = arith.andi %parallel_loop3A_141, %parallel_loop3A_143 : vector<16xi1>
        %parallel_loop3A_145 = arith.index_cast %parallel_loop3A_137 : i32 to index
        %parallel_loop3A_146 = tpu.vector_load %arg6[%parallel_loop3A_145] {strides = array<i32>} : memref<1024xi32, #tpu.memory_space<vmem>>, vector<16xi32>,
        %parallel_loop3A_147 = arith.index_cast %parallel_loop3A_137 : i32 to index
        %parallel_loop3A_148 = tpu.vector_load %arg7[%parallel_loop3A_147] {strides = array<i32>} : memref<1024xf32, #tpu.memory_space<vmem>>, vector<16xf32>,
        tpu.vector_store_idx %arg9[%broadcast_in_dim3A_63, %parallel_loop3A_146], %parallel_loop3A_148 masked %parallel_loop3A_144 {add = true} : memref<8x10000xf32, #tpu.memory_space<vmem>>[vector<16xi32>, vector<16xi32>], vector<16xf32>, vector<16xi1>
      } {sc.loop_unroll_factor = 4 : i64, sc.parallel_access}
    }
    %scan3A_59 = arith.constant 8 : i32
    %mul3A_60 = arith.constant 8 : i32
    %mul3A_61 = arith.muli %add3A, %mul3A_60 : i32
    "tpu.region"() ({
      %run_scoped3A = tpu.sem_alloc : memref<!tpu.dma_semaphore, #tpu.memory_space<semaphore_mem>>
      %dma_start3A = arith.constant 0 : i32
      %dma_start3A_62 = tpu.memref_slice %arg5[%mul3A_61, %dma_start3A] : memref<256x10000xf32, #tpu.memory_space<hbm>> -> memref<8x10000xf32, #tpu.memory_space<hbm>>
      %dma_start3A_63 = arith.constant 0 : i32
      %dma_start3A_64 = tpu.memref_slice %arg5[%mul3A_61, %dma_start3A_63] : memref<256x10000xf32, #tpu.memory_space<hbm>> -> memref<8x10000xf32, #tpu.memory_space<hbm>>
      tpu.enqueue_dma source(%arg9 : memref<8x10000xf32, #tpu.memory_space<vmem>>) target(%dma_start3A_64 : memref<8x10000xf32, #tpu.memory_space<hbm>>) target_semaphore(%run_scoped3A : memref<!tpu.dma_semaphore, #tpu.memory_space<semaphore_mem>>)
      %dma_wait3A = arith.constant 0 : i32
      %dma_wait3A_65 = tpu.memref_slice %arg5[%mul3A_61, %dma_wait3A] : memref<256x10000xf32, #tpu.memory_space<hbm>> -> memref<8x10000xf32, #tpu.memory_space<hbm>>
      %dma_wait3A_66 = arith.constant 0 : i32
      %dma_wait3A_67 = tpu.memref_slice %arg5[%mul3A_61, %dma_wait3A_66] : memref<256x10000xf32, #tpu.memory_space<hbm>> -> memref<8x10000xf32, #tpu.memory_space<hbm>>
      tpu.wait_dma2 semaphore(%run_scoped3A : memref<!tpu.dma_semaphore, #tpu.memory_space<semaphore_mem>>) src(%arg9 : memref<8x10000xf32, #tpu.memory_space<vmem>>) dst(%dma_wait3A_67 : memref<8x10000xf32, #tpu.memory_space<hbm>>)
      tpu.yield
    }) : () -> ()
    return
  }
}

</mosaic_0001>

<sc_bundles>
// kernel: kernel.3.cloned.1.call-start
scs
__scs_entry_jumppad:
0x0: {  	(pc) =	sbr.rel $0x88, $3  }
0x1: {  	(tag) =	ssettag $0x0;
	lr =	simm.s32 $0x1  }
0x2: {  	[smem:$0x3F9E] =	sst lr;
	_ =	strace $0xD0000000  }
0x3: {  	_ = 	snop  }
0x4: {  	_ = 	snop  }
0x5: {  	_ = 	snop  }
0x6: {  	_ = 	snop  }
0x7: {  	_ = 	snop  }
__scs_overlays_trampoline_lowered:
0x8: {  	[smem:$0x3FAD] =	sst s0  }
0x9: {  	[smem:$0x3FAE] =	sst s1  }
0xa: {  	[smem:$0x3FAF] =	sst s2  }
0xb: {  	[smem:$0x3FB0] =	sst s3  }
0xc: {  	[smem:$0x3FB1] =	sst s4  }
0xd: {  	[smem:$0x3FB2] =	sst s5  }
0xe: {  	[smem:$0x3FB3] =	sst s6  }
0xf: {  	[smem:$0x3FB4] =	sst s7  }
0x10: {  	[smem:$0x3FB5] =	sst s8  }
0x11: {  	[smem:$0x3FB6] =	sst s9;
	s0 =	simm.s32 @!p0 $0x0  }
0x12: {  	s1 =	sld [smem:$0x3F9C];
	s0 =	simm.s32 @p0 $0x1  }
0x13: {  	[smem:$0x3FB7] =	sst s0;
	s0 =	simm.s32 @!p1 $0x0  }
0x14: {  	s2 =	sld [smem:$0x3F9B];
	s0 =	simm.s32 @p1 $0x1  }
0x15: {  	[smem:$0x3FB8] =	sst s0;
	s0 =	simm.s32 @!p2 $0x0  }
0x16: {  	s3 =	sld [smem:$0x3FDB];
	s0 =	simm.s32 @p2 $0x1  }
0x17: {  	s4 =	simm.s32 $0x1BF5;
	[smem:$0x3FBA] =	sst s0  }
0x18: {  	s0 =	sld [smem:$0x3F9D];
	_ =	swait.ge [sflag:s4], $0x0  }
0x19: {  	s7 =	sld [smem:$0x3F9E]  }
0x1a: {  	s8 =	sadd.s32 $0xFFFFE003, lr  }
0x1b: {  	s9 =	sadd.s32 $0xFFFFFEF7, lr;
	s5 =	simm.s32 $0xFFFFFFFF;
	p2 =	slt.u32 s8, $0xFFFFF086  }
0x1c: {  	p1 =	slt.u32 s9, $0xF7A;
	s5 =	simm.s32 @!p2 $0x0  }
0x1d: {  	s5 =	simm.s32 @p1 $0x1;
	p0 =	seq.s32 s7, s2  }
0x1e: {  	s7 =	smul.u32 @!p0 $0xF7A, s2;
	p2 =	seq.s32 @!p0 s5, $0x0  }
0x1f: {  	s9 =	smul.u32 $0xF7A, s1;
	s8 =	simm.s32 @!p0 $0x1BF5;
	p2 =	por !p2, p0  }
0x20: {  	[sflag:s8] =	ssyncset.s32 @!p0 $0xFFFFF086;
	s6 =	sadd.s32 @!p0 s3, s7;
	s7 =	simm.s32 @!p0 $0x108  }
0x21: {  	s3 =	sadd.s32 s3, s9;
	s6 =	sadd.s32 @!p0 $0x88, s6;
	s7 =	simm.s32 @p2 $0x1082  }
0x22: {  	[simem:s7], [sflag:s8] =	dma.local @!p0 [hbm:s6], $0xF7A  }
0x23: {  	s9 =	sor.u32 $0xD0000000, s2;
	s6 =	simm.s32 $0x108;
	_ =	swait.ge @!p0 [sflag:s8], $0x0  }
0x24: {  	s3 =	sadd.s32 $0x88, s3;
	s6 =	simm.s32 @!p1 $0x1082;
	[sflag:s4] =	ssyncset.s32 $0xFFFFF086  }
0x25: {  	[simem:s6], [sflag:s4] =	dma.local [hbm:s3], $0xF7A  }
0x26: {  	[smem:$0x3F9E] =	sst s1;
	(tag) =	ssettag s2;
	_ =	strace s9  }
0x27: {  	s1 =	sld [smem:$0x3FAE]  }
0x28: {  	s2 =	sld [smem:$0x3FAF]  }
0x29: {  	s4 =	sld [smem:$0x3FB1]  }
0x2a: {  	p0 =	seq.s32 s5, $0x0;
	s5 =	sld [smem:$0x3FB2]  }
0x2b: {  	s6 =	sld [smem:$0x3FB3]  }
0x2c: {  	s7 =	sld [smem:$0x3FB4]  }
0x2d: {  	s3 =	simm.s32 $0x108;
	s8 =	sld [smem:$0x3FB5]  }
0x2e: {  	s3 =	simm.s32 @!p0 $0x1082;
	s9 =	sld [smem:$0x3FB6]  }
0x2f: {  	lr =	sadd.s32 s0, s3;
	s0 =	sld [smem:$0x3FAD]  }
0x30: {  	s3 =	sld [smem:$0x3FB0]  }
0x31: {  	[smem:$0x3FB9] =	sst s10  }
0x32: {  	s10 =	sld [smem:$0x3FB7];
	_ =	sdelay $0x3  }
0x33: {  	p0 =	seq.s32 s10, $0x1;
	s10 =	sld [smem:$0x3FB9];
	_ =	sdelay $0x3  }
0x34: {  	[smem:$0x3FB9] =	sst s10  }
0x35: {  	s10 =	sld [smem:$0x3FB8];
	_ =	sdelay $0x3  }
0x36: {  	p1 =	seq.s32 s10, $0x1;
	s10 =	sld [smem:$0x3FB9];
	_ =	sdelay $0x3  }
0x37: {  	[smem:$0x3FB9] =	sst s10  }
0x38: {  	s10 =	sld [smem:$0x3FBA]  }
0x39: {  	_ = 	snop;
	(pc) =	sbr.ind lr, $3  }
0x3a: {  	_ = 	snop  }
0x3b: {  	_ = 	snop  }
0x3c: {  	p2 =	seq.s32 s10, $0x1;
	s10 =	sld [smem:$0x3FB9]  }
0x3d: {  	_ =	shalt  }
0x3e: {  	_ =	shalt  }
0x3f: {  	_ =	shalt  }
0x40: {  	_ =	shalt  }
0x41: {  	_ =	shalt  }
0x42: {  	_ =	shalt  }
0x43: {  	_ =	shalt  }
0x44: {  	_ =	shalt  }
0x45: {  	_ =	shalt  }
0x46: {  	_ =	shalt  }
0x47: {  	_ =	shalt  }
0x48: {  	_ =	shalt  }
0x49: {  	_ =	shalt  }
0x4a: {  	_ =	shalt  }
0x4b: {  	_ =	shalt  }
0x4c: {  	_ =	shalt  }
0x4d: {  	_ =	shalt  }
0x4e: {  	_ =	shalt  }
0x4f: {  	_ =	shalt  }
0x50: {  	_ =	shalt  }
0x51: {  	_ =	shalt  }
0x52: {  	_ =	shalt  }
0x53: {  	_ =	shalt  }
0x54: {  	_ =	shalt  }
0x55: {  	_ =	shalt  }
0x56: {  	_ =	shalt  }
0x57: {  	_ =	shalt  }
0x58: {  	_ =	shalt  }
0x59: {  	_ =	shalt  }
0x5a: {  	_ =	shalt  }
0x5b: {  	_ =	shalt  }
0x5c: {  	_ =	shalt  }
0x5d: {  	_ =	shalt  }
0x5e: {  	_ =	shalt  }
0x5f: {  	_ =	shalt  }
0x60: {  	_ =	shalt  }
0x61: {  	_ =	shalt  }
0x62: {  	_ =	shalt  }
0x63: {  	_ =	shalt  }
0x64: {  	_ =	shalt  }
0x65: {  	_ =	shalt  }
0x66: {  	_ =	shalt  }
0x67: {  	_ =	shalt  }
0x68: {  	_ =	shalt  }
0x69: {  	_ =	shalt  }
0x6a: {  	_ =	shalt  }
0x6b: {  	_ =	shalt  }
0x6c: {  	_ =	shalt  }
0x6d: {  	_ =	shalt  }
0x6e: {  	_ =	shalt  }
0x6f: {  	_ =	shalt  }
0x70: {  	_ =	shalt  }
0x71: {  	_ =	shalt  }
0x72: {  	_ =	shalt  }
0x73: {  	_ =	shalt  }
0x74: {  	_ =	shalt  }
0x75: {  	_ =	shalt  }
0x76: {  	_ =	shalt  }
0x77: {  	_ =	shalt  }
0x78: {  	_ =	shalt  }
0x79: {  	_ =	shalt  }
0x7a: {  	_ =	shalt  }
0x7b: {  	_ =	shalt  }
0x7c: {  	_ =	shalt  }
0x7d: {  	_ =	shalt  }
0x7e: {  	_ =	shalt  }
0x7f: {  	_ =	shalt  }
0x80: {  	_ =	shalt  }
0x81: {  	_ =	shalt  }
0x82: {  	_ =	shalt  }
0x83: {  	_ =	shalt  }
0x84: {  	_ =	shalt  }
0x85: {  	_ =	shalt  }
0x86: {  	_ =	shalt  }
0x87: {  	_ =	shalt  }
.Lfunc_end0:
.L_simem_size_0:
called_computation_lowered:
.L_overlay_start_0:
0x88: {  	s2 =	sld [smem:$0x3FD9]  }
0x89: {  	s3 =	sld [smem:$0x3FFE];
	_ =	sdelay $0x1  }
0x8a: {  	s1 =	srdreg.scid  }
0x8b: {  	s0 =	sand.u32 $0x1, s1  }
0x8c: {  	s18 =	sshll.u32 s0, $0xA;
	s2 =	sadd.s32 s3, s2  }
0x8d: {  	s2 =	sadd.s32 s2, s18  }
0x8e: {  	[smem:$0x3FC5] =	sst s2  }
0x8f: {  	_ = 	snop  }
0x90: {  	s2 =	sld [smem:$0x3FC9]  }
0x91: {  	s19 =	sld [smem:$0x3FC8]  }
0x92: {  	s4 =	sld [smem:$0x3FC7]  }
0x93: {  	s5 =	sld [smem:$0x3FD0];
	(tm) =	ssettm $0x1  }
0x94: {  	s6 =	sld [smem:$0x3FFB];
	_ =	sdelay $0x3  }
0x95: {  	_ =	strace s6  }
0x96: {  	s6 =	sld [smem:$0x3FFC];
	_ =	sdelay $0x3  }
0x97: {  	_ =	strace s6  }
0x98: {  	s6 =	sld [smem:$0x3FFD];
	_ =	sdelay $0x3  }
0x99: {  	_ =	strace s6  }
0x9a: {  	_ =	strace $0x8FFFFFFF  }
0x9b: {  	s20 =	sld [smem:$0x3FDB];
	_ =	sdelay $0x1  }
0x9c: {  	s7 =	simm.s32 $_scs_section_size  }
0x9d: {  	s8 =	simm.s32 $_size__tile_overlayer_lowered;
	s9 =	simm.s32 $_tile_overlayer_lowered  }
0x9e: {  	s23 =	simm.s32 $0x1BFF;
	s22 =	sshll.u32 s9, $0x1;
	s6 =	sadd.s32 s7, s20  }
0x9f: {  	s10 =	simm.s32 $0x0;
	s21 =	sshll.u32 s8, $0x1;
	s8 =	sadd.s32 s22, s6  }
0xa0: {  	[timem:s10], [sflag:s23] =	dma.local [hbm:s8], s21  }
0xa1: {  	_ =	swait.ge [sflag:s23], s21  }
0xa2: {  	s7 =	ssub.s32 $0x0, s21;
	[sflag:s23] =	ssyncset.done $0x0  }
0xa3: {  	[sflag:s23] =	ssyncadd.s32 s7;
	_ =	sdelay $0x1  }
0xa4: {  	s24 =	simm.s32 $0x1B8B  }
0xa5: {  	_ =	swait.ge [sflag:s24], $0x1  }
0xa6: {  	[sflag:s24] =	ssyncset.done $0x0  }
0xa7: {  	s25 =	simm.s32 $0x1B8E;
	[sflag:s24] =	ssyncadd.s32 $0xFFFFFFFF  }
0xa8: {  	s26 =	simm.s32 $execute0_lowered;
	[smem:$0x3FD2] =	sst s25  }
0xa9: {  	s7 =	sshll.u32 s26, $0x1;
	_ =	strace $0x80000046;
	[dreg:$0x1] =	wrdreg $0xFFFFFFFF  }
0xaa: {  	s28 =	simm.s32 $_size_execute0_lowered;
	s6 =	sadd.s32 s6, s7;
	[dreg:$0x0] =	wrdreg $0x0  }
0xab: {  	s7 =	sshll.u32 s28, $0x1;
	[dreg:$0x2] =	wrdreg s6  }
0xac: {  	[dreg:$0x3] =	wrdreg s7  }
0xad: {  	[dreg:$0x4] =	wrdreg $0xC0  }
0xae: {  	_ =	task [dreg:s10], $0x5FFFF  }
0xaf: {  	[dreg:$0x1] =	wrdreg $0xFFFFFFFF  }
0xb0: {  	[dreg:$0x0] =	wrdreg $0x60  }
0xb1: {  	[dreg:$0x2] =	wrdreg s2  }
0xb2: {  	[dreg:$0x3] =	wrdreg s19  }
0xb3: {  	[dreg:$0x4] =	wrdreg s4  }
0xb4: {  	[dreg:$0x5] =	wrdreg s5  }
0xb5: {  	[dreg:$0x6] =	wrdreg $0x9  }
0xb6: {  	_ =	task.clear_ibuf [dreg:s10], $0x7FFFF;
	_ =	strace $0x90000046  }
0xb7: {  	s29 =	simm.s32 $0x9;
	_ =	strace $0x80000048  }
0xb8: {  	_ =	swait.ge [sflag:s29], $0x1  }
0xb9: {  	[sflag:s29] =	ssyncadd.s32 $0xFFFFFFFF  }
0xba: {  	_ =	strace $0x90000048  }
0xbb: {  	_ =	sfence  }
0xbc: {  	s30 =	sld [smem:$0x0];
	_ =	sdelay $0x2  }
0xbd: {  	s31 =	sshll.u32 s1, $0xD;
	s1 =	sshrl.u32 s1, $0x2  }
0xbe: {  	s3 =	sand.u32 $0x4000, s31;
	s1 =	sadd.s32 s1, s30  }
0xbf: {  	s0 =	sor.u32 s3, s0;
	s1 =	sshll.u32 s1, $0x11  }
0xc0: {  	s0 =	sor.u32 s1, s0  }
0xc1: {  	s0 =	sadd.s32 $0x8F2B, s0  }
0xc2: {  	[sflag:s0] =	ssyncadd.remote.s32 $0x1  }
0xc3: {  	_ =	sfence.sel $0xFFFF  }
0xc4: {  	[dreg:$0x0] =	wrdreg $0xFFFFFFFF;
	(pc) =	sbr.abs _section_cstart, $3  }
0xc5: {  	[dreg:$0x1] =	wrdreg $0xFFFFFFFF  }
0xc6: {  	_ =	task.clear_ibuf [dreg:s10], $0x2FFFF;
	_ =	strace $0x9FFFFFFF  }
0xc7: {  	(tm) =	ssettm $0x7FFFFFFF  }
tec
execute0_lowered:
.L_overlay_start_1:
0x0: {  	(tag) =	ssettag $0x1  }
0x1: {  	s3 =	rddreg [dreg:$0x0]  }
0x2: {  	s5 =	rddreg [dreg:$0x1]  }
0x3: {  	s4 =	rddreg [dreg:$0x2]  }
0x4: {  	s6 =	rddreg [dreg:$0x3]  }
0x5: {  	s1 =	srdreg.scid;
	s0 =	rddreg [dreg:$0x4]  }
0x6: {  	s2 =	simm.s32 $0x0;
	s12 =	simm.s32 $0x0;
	s7 =	sand.u32 $0x1, s1  }
0x7: {  	[smem:$0x7FF] =	sst s2;
	s1 =	stileid.u32;
	s8 =	ssub.s32 $0x2, s7  }
0x8: {  	_ =	strace $0x80000047;
	s10 =	sshll.u32 s1, $0x1;
	s31 =	sshrl.u32 s1, $0x1  }
0x9: {  	s9 =	sshrl.u32 s8, $0x1;
	s7 =	sor.u32 s7, s10;
	s11 =	sshll.u32 s31, $0x7  }
.Ltmp0:
0xa: {  	s8 =	ssub.s32 s8, s9;
	s10 =	sshll.u32 s7, $0x3;
	(pc) =	sbr.rel .LBB2_1-.Ltmp0, $4  }
0xb: {  	v0 =	vlaneseq.u32;
	s7 =	smul.u32 $0x2780, s7;
	s3 =	sadd.s32 s3, s11;
	s10 =	sand.u32 $0x18, s10  }
0xc: {  	vm0 =	vmmov $0xff;
	s9 =	sshll.u32 s31, $0x5;
	s4 =	sadd.s32 s4, s11;
	s11 =	simm.s32 $0x900;
	v1 =	vor.u32 s10, v0  }
0xd: {  	s5 =	sadd.s32 s5, s9;
	s9 =	simm.s32 $0x400;
	s6 =	sadd.s32 s6, s7;
	v1 =	vnsel vm0, $0x0, v1  }
0xe: {  	v3 =	vimm.f32 $0.0e+00;
	s7 =	smax.u32 s8, $0x1;
	s8 =	simm.s32 $0x1;
	s10 =	simm.s32 $0x800;
	v2 =	vor.u32 $0x80, v1  }
.LBB2_12:
0xf: {  	s12 =	sadd.s32 $0x1, s12  }
0x10: {  	p0 =	sne.s32 s12, s7  }
.Ltmp1:
0x11: {  	_ = 	snop;
	(pc) =	sbr.rel @!p0 .LBB2_13-.Ltmp1, $4  }
0x12: {  	[hbm4b:s6+s2] =	stream.linear.scatter [tilespmem:s11], [sflag:$0x1], $0x13C00, $0x38;
	[tilespmem:$0x14500] =	vst v63  }
0x13: {  	_ =	swait.ge [sflag:s8], $0x13C00  }
0x14: {  	[sflag:s8] =	ssyncset.done $0x0  }
0x15: {  	[sflag:s8] =	ssyncadd.s32 $0xFFFEC400  }
.LBB2_1:
0x16: {  	[tilespmem:s2], [sflag:$0x1] =	stream.linear.gather [hbm4b:s3+s2], $0x400, $0x38;
	[tilespmem:$0x14500] =	vst v63  }
0x17: {  	_ =	swait.ge [sflag:s8], $0x400  }
0x18: {  	[sflag:s8] =	ssyncset.done $0x0  }
0x19: {  	[sflag:s8] =	ssyncadd.s32 $0xFFFFFC00  }
0x1a: {  	[tilespmem:s9], [sflag:$0x1] =	stream.linear.gather [hbm4b:s4+s2], $0x400, $0x38;
	[tilespmem:$0x14500] =	vst v63  }
0x1b: {  	_ =	swait.ge [sflag:s8], $0x400  }
0x1c: {  	[sflag:s8] =	ssyncset.done $0x0  }
0x1d: {  	[sflag:s8] =	ssyncadd.s32 $0xFFFFFC00  }
0x1e: {  	[tilespmem:s10], [sflag:$0x1] =	stream.linear.gather [hbm4b:s5+s2], $0x100, $0x38;
	[tilespmem:$0x14500] =	vst v63  }
0x1f: {  	_ =	swait.ge [sflag:s8], $0x100  }
0x20: {  	s13 =	simm.s32 $0x0;
	[sflag:s8] =	ssyncset.done $0x0  }
0x21: {  	s15 =	sand.u32 $0x1FC00, s2;
	s14 =	sand.u32 $0x60, s13;
	[sflag:s8] =	ssyncadd.s32 $0xFFFFFF00  }
0x22: {  	s14 =	sor.u32 s14, s15;
	v4 =	vld.idx.msk [tilespmem:v1+s10+$0x0], $0xff  }
0x23: {  	v5 =	vld.idx.msk [tilespmem:v2+s10+$0x0], $0xff;
	[tilespmem:s14+$0x910] =	vst v3  }
0x24: {  	[tilespmem:s14+$0x990] =	vst v3  }
0x25: {  	[tilespmem:s14+$0xA10] =	vst v3  }
0x26: {  	[tilespmem:s14+$0xA90] =	vst v3  }
0x27: {  	[tilespmem:s14+$0xB10] =	vst v3  }
0x28: {  	[tilespmem:s14+$0xB90] =	vst v3  }
0x29: {  	s31 =	sand.u32 $0x3, s2;
	[tilespmem:s14+$0x900] =	vst v3  }
0x2a: {  	s15 =	sshll.u32 s31, $0x5;
	[tilespmem:s14+$0x980] =	vst v3  }
0x2b: {  	s15 =	sadd.s32 $0x0, s15;
	[tilespmem:s14+$0xA00] =	vst v3  }
0x2c: {  	s16 =	sadd.s32 $0x10, s15;
	[tilespmem:s14+$0xA80] =	vst v3  }
0x2d: {  	s17 =	sor.u32 $0x300, s16;
	[tilespmem:s14+$0xB00] =	vst v3  }
0x2e: {  	s18 =	sor.u32 $0x300, s15;
	s16 =	sor.u32 $0x380, s16;
	[tilespmem:s17+$0x900] =	vst v3  }
0x2f: {  	s17 =	sor.u32 $0x380, s15;
	s15 =	simm.s32 $0x0;
	[tilespmem:s16+$0x900] =	vst v3;
	s16 =	simm.s32 $0x0  }
.LBB2_2:
0x30: {  	s13 =	sadd.s32 $0x20, s13;
	[tilespmem:s14+$0xB80] =	vst v3;
	s15 =	sadd.s32 $0x100, s15  }
0x31: {  	s14 =	sand.u32 $0x60, s13;
	s19 =	sand.u32 $0x1FC00, s15;
	[tilespmem:s18+$0x900] =	vst v3  }
0x32: {  	s14 =	sor.u32 s14, s19;
	[tilespmem:s17+$0x900] =	vst v3  }
0x33: {  	s16 =	sadd.s32 $0x1, s16;
	[tilespmem:s14+$0x910] =	vst v3  }
0x34: {  	s17 =	sand.u32 $0x3, s16;
	[tilespmem:s14+$0x990] =	vst v3  }
0x35: {  	p0 =	slt.u32 s13, $0x26E0;
	s17 =	sshll.u32 s17, $0x5;
	[tilespmem:s14+$0xA10] =	vst v3  }
0x36: {  	s19 =	sadd.s32 s17, s15;
	[tilespmem:s14+$0xA90] =	vst v3  }
0x37: {  	s18 =	sor.u32 $0x300, s19;
	s17 =	sor.u32 $0x380, s19;
	s19 =	sadd.s32 $0x10, s19;
	[tilespmem:s14+$0xB10] =	vst v3  }
0x38: {  	s20 =	sor.u32 $0x300, s19;
	[tilespmem:s14+$0xB90] =	vst v3  }
0x39: {  	s19 =	sor.u32 $0x380, s19;
	[tilespmem:s20+$0x900] =	vst v3  }
0x3a: {  	[tilespmem:s19+$0x900] =	vst v3  }
.Ltmp2:
0x3b: {  	[tilespmem:s14+$0x900] =	vst v3;
	(pc) =	sbr.rel @p0 .LBB2_2-.Ltmp2, $4  }
0x3c: {  	[tilespmem:s14+$0x980] =	vst v3  }
0x3d: {  	[tilespmem:s14+$0xA00] =	vst v3  }
0x3e: {  	[tilespmem:s14+$0xA80] =	vst v3  }
0x3f: {  	[tilespmem:s14+$0xB00] =	vst v3  }
0x40: {  	[tilespmem:s14+$0xB80] =	vst v3  }
0x41: {  	[tilespmem:s18+$0x900] =	vst v3  }
0x42: {  	[tilespmem:s17+$0x900] =	vst v3  }
0x43: {  	[tilespmem:$0x14100] =	vst v3  }
0x44: {  	[tilespmem:$0x14180] =	vst v3  }
0x45: {  	[tilespmem:$0x14200] =	vst v3  }
.Ltmp3:
0x46: {  	[tilespmem:$0x14280] =	vst v3;
	(pc) =	sbr.rel .LBB2_4-.Ltmp3, $4  }
0x47: {  	[tilespmem:$0x14300] =	vst v3  }
0x48: {  	[tilespmem:$0x14380] =	vst v3  }
0x49: {  	[tilespmem:$0x14400] =	vst v3  }
0x4a: {  	s13 =	simm.s32 $0x0;
	[tilespmem:$0x14480] =	vst v3  }
.LBB2_11:
0x4b: {  	s13 =	sadd.s32 $0x1, s13  }
0x4c: {  	p0 =	sne.s32 s13, $0x8  }
.Ltmp4:
0x4d: {  	_ = 	snop;
	(pc) =	sbr.rel @!p0 .LBB2_12-.Ltmp4, $1  }
0x4e: {  	_ =	sdelay $0x3  }
.LBB2_4:
0x4f: {  	v8 =	vmov s13  }
0x50: {  	vm0 =	veq.s32 v8, v0  }
0x51: {  	v6 =	vnsel vm0, $0x0, v4  }
0x52: {  	(xrf0) =	vadd.scan.msk.s32 $0xffff, v6;
	v6 =	vnsel vm0, $0x0, v5  }
0x53: {  	(xrf0) =	vadd.scan.msk.s32 $0xffff, v6;
	_ =	sdelay $0x4  }
0x54: {  	v6, _, _ =	vpop (xrf0)  }
0x55: {  	(v2sf) =	vpush v6, $0xF;
	v7, _, _ =	vpop (xrf0)  }
0x56: {  	(v2sf) =	vpush v7, $0xF;
	_ =	sdelay $0xd  }
0x57: {  	s14 =	spop (v2sf)  }
0x58: {  	s15 =	sshra.s32 s14, $0x1F;
	s16 =	spop (v2sf);
	s17 =	sand.u32 $0xF, s14  }
0x59: {  	p0 =	slt.s32 s14, $0x1;
	s15 =	sshrl.u32 s15, $0x1C;
	s16 =	sadd.s32 $0xF, s16  }
0x5a: {  	p1 =	sne.s32 s17, $0x0;
	s17 =	simm.s32 $0x1;
	s15 =	sadd.s32 s15, s14  }
0x5b: {  	s26 =	sand.u32 $0xF, s16;
	p0 =	por !p0, !p1;
	p6 =	slt.s32 s16, $0x1  }
0x5c: {  	s29 =	sshra.s32 s16, $0x1F;
	p2 =	sne.s32 s26, $0x0;
	s28 =	sshra.s32 s15, $0x4  }
0x5d: {  	p0 =	por !p0, !p0;
	s15 =	sshrl.u32 s29, $0x1C;
	p1 =	por !p6, !p2  }
0x5e: {  	s15 =	sadd.s32 s15, s16;
	s16 =	simm.s32 $0x1;
	p1 =	por !p1, !p1  }
0x5f: {  	s17 =	simm.s32 @!p0 $0x0;
	s15 =	sshrl.u32 s15, $0x4;
	s16 =	simm.s32 @!p1 $0x0  }
0x60: {  	s17 =	ssub.s32 s28, s17;
	s30 =	ssub.s32 s15, s16  }
0x61: {  	s19 =	sshll.u32 s17, $0x4;
	s14 =	sshll.u32 s30, $0x4  }
0x62: {  	s16 =	ssub.s32 s14, s19  }
0x63: {  	s31 =	sand.u32 $0xFFFFFFC0, s16  }
0x64: {  	s15 =	sadd.s32 s19, s31  }
0x65: {  	p0 =	sge.s32 s19, s15  }
.Ltmp5:
0x66: {  	_ = 	snop;
	(pc) =	sbr.rel @p0 .LBB2_8-.Ltmp5, $2  }
0x67: {  	_ =	sdelay $0x2  }
0x68: {  	v8 =	vshll.u32 v8, $0x7;
	v6 =	vbroadcast v6, $0xF;
	v7 =	vbroadcast v7, $0xF;
	s17 =	sshll.u32 s17, $0x6  }
0x69: {  	s18 =	sshra.s32 s17, $0x2  }
0x6a: {  	s20 =	sadd.s32 $0x20, s18  }
0x6b: {  	v9 =	vld [tilespmem:s20+$0x10]  }
0x6c: {  	v10 =	vor.u32 s19, v0  }
0x6d: {  	s21 =	sadd.s32 $0x10, s19;
	s22 =	sadd.s32 $0x20, s19;
	s31 =	sadd.s32 $0x30, s19;
	vm0 =	vge.s32 v10, v6;
	vm1 =	vlt.s32 v10, v7  }
0x6e: {  	v10 =	vor.u32 s21, v0;
	v15 =	vor.u32 s22, v0;
	v14 =	vor.u32 s31, v0;
	v11 =	vld [tilespmem:s20+$0xFFFFFFE0]  }
0x6f: {  	v13 =	vld [tilespmem:s20+$0x0];
	vm0 =	vmand vm0, vm1;
	vm1 =	vge.s32 v10, v6;
	vm2 =	vlt.s32 v10, v7  }
0x70: {  	v12 =	vld [tilespmem:s20+$0xFFFFFFF0];
	vm3 =	vge.s32 v14, v6;
	vm4 =	vlt.s32 v14, v7;
	v10 =	vshll.u32 v9, $0x3  }
0x71: {  	vm4 =	vmand vm3, vm4;
	v9 =	vand.u32 $0x7F, v9;
	v10 =	vand.u32 $0xFFFFFC00, v10  }
0x72: {  	s19 =	sadd.s32 $0x40, s19;
	s18 =	sadd.s32 $0x420, s18;
	vm1 =	vmand vm1, vm2;
	vm2 =	vge.s32 v15, v6;
	v9 =	vor.u32 v10, v9  }
0x73: {  	p0 =	slt.s32 s19, s15;
	v17 =	vld [tilespmem:s18+$0x10];
	vm3 =	vlt.s32 v15, v7;
	v14 =	vshll.u32 v11, $0x3;
	v18 =	vor.u32 v8, v9  }
.Ltmp6:
0x74: {  	v16 =	vshll.u32 v13, $0x3;
	v11 =	vand.u32 $0x7F, v11;
	v14 =	vand.u32 $0xFFFFFC00, v14;
	(pc) =	sbr.rel @!p0 .LBB2_7-.Ltmp6, $4  }
0x75: {  	v13 =	vand.u32 $0x7F, v13;
	v10 =	vshll.u32 v12, $0x3;
	v14 =	vor.u32 v14, v11;
	v11 =	vld [tilespmem:s18+$0x0]  }
0x76: {  	v16 =	vand.u32 $0xFFFFFC00, v16;
	v12 =	vand.u32 $0x7F, v12;
	v19 =	vand.u32 $0xFFFFFC00, v10;
	v9 =	vld [tilespmem:s18+$0xFFFFFFE0]  }
0x77: {  	v16 =	vor.u32 v16, v13;
	v10 =	vld [tilespmem:s18+$0xFFFFFFF0];
	v14 =	vor.u32 v8, v14;
	v12 =	vor.u32 v19, v12  }
0x78: {  	s20 =	sadd.s32 $0x40, s20;
	v13 =	vor.u32 v8, v12;
	v12 =	vor.u32 v8, v16;
	[tilespmem:v18+s11+$0x0] =	vst.idx.add.f32.msk vm4, v17  }
.LBB2_6:
0x79: {  	v15 =	vld [tilespmem:s20+$0x10];
	vm4 =	vmand vm2, vm3;
	s21 =	smov.u32 s19;
	s19 =	sadd.s32 $0x40, s19  }
0x7a: {  	v16 =	vor.u32 s21, v0;
	v17 =	vld [tilespmem:s20+$0xFFFFFFE0];
	p0 =	slt.s32 s19, s15  }
0x7b: {  	s22 =	sadd.s32 $0x10, s21;
	s23 =	sadd.s32 $0x20, s21;
	vm3 =	vge.s32 v16, v6;
	v18 =	vld [tilespmem:s20+$0xFFFFFFF0]  }
0x7c: {  	s21 =	sadd.s32 $0x30, s21;
	vm5 =	vlt.s32 v16, v7;
	v16 =	vor.u32 s22, v0;
	v19 =	vor.u32 s23, v0;
	v20 =	vld [tilespmem:s20+$0x0]  }
0x7d: {  	v21 =	vor.u32 s21, v0;
	vm2 =	vge.s32 v16, v6;
	[tilespmem:v14+s11+$0x0] =	vst.idx.add.f32.msk vm0, v9;
	vm0 =	vmand vm3, vm5  }
0x7e: {  	vm3 =	vlt.s32 v16, v7;
	vm5 =	vge.s32 v21, v6;
	v9 =	vshll.u32 v15, $0x3;
	[tilespmem:v13+s11+$0x0] =	vst.idx.add.f32.msk vm1, v10  }
0x7f: {  	vm1 =	vlt.s32 v21, v7;
	v10 =	vand.u32 $0x7F, v15;
	v9 =	vand.u32 $0xFFFFFC00, v9;
	[tilespmem:v12+s11+$0x0] =	vst.idx.add.f32.msk vm4, v11  }
0x80: {  	s18 =	sadd.s32 $0x40, s18;
	v11 =	vshll.u32 v17, $0x3;
	vm4 =	vmand vm5, vm1;
	v9 =	vor.u32 v9, v10  }
0x81: {  	v10 =	vshll.u32 v18, $0x3;
	v12 =	vshll.u32 v20, $0x3;
	v15 =	vld [tilespmem:s18+$0x10];
	v16 =	vor.u32 v8, v9  }
.Ltmp7:
0x82: {  	v11 =	vand.u32 $0xFFFFFC00, v11;
	v13 =	vand.u32 $0xFFFFFC00, v10;
	v9 =	vld [tilespmem:s18+$0xFFFFFFE0];
	v12 =	vand.u32 $0xFFFFFC00, v12;
	(pc) =	sbr.rel @p0 .LBB2_6-.Ltmp7, $4  }
0x83: {  	v14 =	vand.u32 $0x7F, v17;
	v17 =	vand.u32 $0x7F, v18;
	v18 =	vand.u32 $0x7F, v20;
	v10 =	vld [tilespmem:s18+$0xFFFFFFF0]  }
0x84: {  	v14 =	vor.u32 v11, v14;
	v13 =	vor.u32 v13, v17;
	v12 =	vor.u32 v12, v18;
	v11 =	vld [tilespmem:s18+$0x0]  }
0x85: {  	v14 =	vor.u32 v8, v14;
	v13 =	vor.u32 v8, v13;
	v12 =	vor.u32 v8, v12  }
0x86: {  	s20 =	sadd.s32 $0x40, s20;
	vm1 =	vmand vm2, vm3;
	vm2 =	vge.s32 v19, v6;
	vm3 =	vlt.s32 v19, v7;
	[tilespmem:v16+s11+$0x0] =	vst.idx.add.f32.msk vm4, v15  }
.LBB2_7:
0x87: {  	_ = 	snop  }
0x88: {  	vm2 =	vmand vm2, vm3;
	_ =	sdelay $0x3  }
0x89: {  	[tilespmem:v14+s11+$0x0] =	vst.idx.add.f32.msk vm0, v9  }
0x8a: {  	[tilespmem:v13+s11+$0x0] =	vst.idx.add.f32.msk vm1, v10  }
0x8b: {  	[tilespmem:v12+s11+$0x0] =	vst.idx.add.f32.msk vm2, v11  }
.LBB2_8:
0x8c: {  	p0 =	sge.s32 s15, s14  }
.Ltmp8:
0x8d: {  	_ = 	snop;
	(pc) =	sbr.rel @p0 .LBB2_11-.Ltmp8, $1  }
0x8e: {  	_ =	sdelay $0x3  }
0x8f: {  	s16 =	sshll.u32 s16, $0x2  }
0x90: {  	s16 =	sand.u32 $0xFFFFFF00, s16  }
0x91: {  	s16 =	sadd.s32 s17, s16  }
0x92: {  	s16 =	sshra.s32 s16, $0x2  }
0x93: {  	s17 =	sadd.s32 $0x400, s16  }
.LBB2_10:
0x94: {  	v9 =	vld [tilespmem:s16+$0x0];
	_ =	sdelay $0x4  }
0x95: {  	v10 =	vor.u32 s15, v0;
	v11 =	vshll.u32 v9, $0x3  }
0x96: {  	vm0 =	vge.s32 v10, v6;
	vm1 =	vlt.s32 v10, v7;
	v10 =	vand.u32 $0xFFFFFC00, v11  }
0x97: {  	s15 =	sadd.s32 $0x10, s15;
	vm0 =	vmand vm0, vm1;
	v9 =	vand.u32 $0x7F, v9;
	v10 =	vadd.s32 v8, v10  }
0x98: {  	p0 =	slt.s32 s15, s14;
	v11 =	vld [tilespmem:s17+$0x0];
	v9 =	vor.u32 v9, v10  }
.Ltmp9:
0x99: {  	_ = 	snop;
	(pc) =	sbr.rel @p0 .LBB2_10-.Ltmp9, $2  }
0x9a: {  	_ =	sdelay $0x2  }
0x9b: {  	s16 =	sadd.s32 $0x10, s16;
	s17 =	sadd.s32 $0x10, s17;
	[tilespmem:v9+s11+$0x0] =	vst.idx.add.f32.msk vm0, v11  }
.Ltmp10:
0x9c: {  	_ = 	snop;
	(pc) =	sbr.rel .LBB2_11-.Ltmp10, $1  }
0x9d: {  	_ =	sdelay $0x3  }
.LBB2_13:
0x9e: {  	_ =	sfence.sel $0x180000  }
0x9f: {  	[bflag:$0x0] =	sbarrier.arrive $0xFFFF  }
0xa0: {  	p0 =	sne.s32 s1, $0x0;
	_ =	strace $0x90000047  }
0xa1: {  	s0 =	sadd.s32 @!p0 $0x100000, s0;
	[bflag:$0x2] =	sbarrier.arrive $0xFFFF  }
0xa2: {  	[sflag:s0] =	ssyncadd.tile.s32 @!p0 $0x1;
	_ =	shalt  }
.Lfunc_end2:
_tile_overlayer_lowered:
.L_overlay_start_2:
0xa3: {  	(tag) =	ssettag $0x2  }
0xa4: {  	s0 =	rddreg [dreg:$0x0];
	s2 =	stileid.u32  }
0xa5: {  	s1 =	rddreg [dreg:$0x1];
	p0 =	sne.s32 s2, $0x0  }
0xa6: {  	s3 =	rddreg [dreg:$0x2];
	[bflag:$0x3] =	sbarrier.arrive $0xFFFF;
	s2 =	simm.s32 @!p0 $0x1C01  }
0xa7: {  	[timem:s3], [sflag:s2] =	dma.local @!p0 [hbm:s0], s1  }
0xa8: {  	s0 =	simm.s32 @!p0 $0x1  }
0xa9: {  	_ =	swait.ge @!p0 [sflag:s0], s1  }
0xaa: {  	s1 =	ssub.s32 @!p0 $0x0, s1;
	[sflag:s0] =	ssyncset.done @!p0 $0x0  }
0xab: {  	[sflag:s0] =	ssyncadd.s32 @!p0 s1  }
0xac: {  	[bflag:$0x3] =	sbarrier.arrive $0xFFFF  }
0xad: {  	_ =	shalt  }

</sc_bundles>
